<compile_context>
chip_gen: v7x
topology: tpu7x:2x2x1
jax: 0.10.2.dev20260603
libtpu: 0.0.44.dev20260713+nightly
codegen_flags: <defaults>
</compile_context>

<pallas_src>
import jax
import jax.numpy as jnp
from jax import lax
from jax.experimental import pallas as pl
from jax.experimental.pallas import tpu as pltpu
from jax.experimental.pallas import tpu_sc as plsc

B = 4096
N = 200
D = 64
SCALE = 8.0

NC = 2
NS = 16
NW = NC * NS
IDR = B * N // 128
RW = IDR // NW


def _sc_mask_body(ids_hbm, mask_hbm, ibuf, mbuf, in_sem, out_sem):
    wid = lax.axis_index("s") * NC + lax.axis_index("c")
    r0 = pl.multiple_of(wid * RW, 8)

    pltpu.async_copy(ids_hbm.at[pl.ds(r0, RW)], ibuf, in_sem).wait()

    @plsc.parallel_loop(0, RW, unroll=2)
    def mask_rows(rr):
        for cv in range(8):
            iv = ibuf[rr, pl.ds(cv * 16, 16)]
            mbuf[rr, pl.ds(cv * 16, 16)] = jnp.where(iv != 0, 1.0, 0.0)

    pltpu.async_copy(mbuf, mask_hbm.at[pl.ds(r0, RW)], out_sem).wait()


_sc_mask_call = pl.kernel(
    _sc_mask_body,
    out_type=jax.ShapeDtypeStruct((IDR, 128), jnp.float32),
    mesh=plsc.VectorSubcoreMesh(core_axis_name="c", subcore_axis_name="s"),
    scratch_types=[
        pltpu.VMEM((RW, 128), jnp.int32),
        pltpu.VMEM((RW, 128), jnp.float32),
        pltpu.SemaphoreType.DMA,
        pltpu.SemaphoreType.DMA,
    ],
)


def _tc_body(ids_ref, emb_ref, pos_ref, out_ref):
    m = (ids_ref[...] != 0).astype(jnp.float32)
    out_ref[...] = (emb_ref[...] * SCALE + pos_ref[...]) * m


_tc_call = pl.pallas_call(
    _tc_body,
    grid=(N,),
    in_specs=[
        pl.BlockSpec((1, 1, B), lambda n: (n, 0, 0)),
        pl.BlockSpec((1, D, B), lambda n: (n, 0, 0)),
        pl.BlockSpec((1, D, 1), lambda n: (n, 0, 0)),
    ],
    out_specs=pl.BlockSpec((1, D, B), lambda n: (n, 0, 0)),
    out_shape=jax.ShapeDtypeStruct((N, D, B), jnp.float32),
)


def kernel(past_lengths, past_ids, past_embeddings, past_payloads, pos_emb):
    mask2 = _sc_mask_call(past_ids.reshape(IDR, 128))
    embT = jnp.transpose(past_embeddings, (1, 2, 0))
    idsT = past_ids.T
    userT = _tc_call(idsT[:, None, :], embT, pos_emb[:, :, None])
    user = jnp.transpose(userT, (2, 0, 1))
    return (past_lengths, user, mask2.reshape(B, N, 1))

# --- scband reference (transcript-rebuilt; emitter-appended) ---
"""Pipeline reference for scband-learnable-positional-embedding-input-features-preprocessor-6313601925790 (READ-ONLY COPY).

The authoritative reference and input builder live on the scoring server;
editing this copy changes nothing except your own understanding.
"""

import jax, jax.numpy as jnp
import numpy as np

B = 4096
N = 200
D = 64
VOCAB = 100000


def setup_inputs(seed: int = 0) -> dict:
    key = jax.random.key(seed)
    k1, k2, k3, k4 = jax.random.split(key, 4)
    past_lengths = jax.random.randint(k1, (B,), 0, N, dtype=jnp.int32)
    past_ids = jax.random.randint(k2, (B, N), 0, VOCAB, dtype=jnp.int32)
    past_embeddings = jax.random.normal(k3, (B, N, D), dtype=jnp.float32)
    # learnable positional embedding table, ~truncated_normal(std=sqrt(1/D))
    pos_emb = jax.random.normal(k4, (N, D), dtype=jnp.float32) * np.sqrt(1.0 / D)
    past_payloads = jnp.zeros((1,), dtype=jnp.int32)  # unused payload placeholder
    return {
        "past_lengths": past_lengths,
        "past_ids": past_ids,
        "past_embeddings": past_embeddings,
        "past_payloads": past_payloads,
        "pos_emb": pos_emb,
    }


def reference(past_lengths, past_ids, past_embeddings, past_payloads, pos_emb):
    Bn, Nn = past_ids.shape
    Dn = past_embeddings.shape[-1]
    positions = jnp.arange(Nn, dtype=jnp.int32)
    pe = jnp.take(pos_emb, positions, axis=0)[None, :, :]  # [1, N, D] broadcast over B
    user_embeddings = past_embeddings * (Dn ** 0.5) + pe
    # dropout_rate = 0.0 -> identity
    valid_mask = (past_ids != 0)[..., None].astype(jnp.float32)
    user_embeddings = user_embeddings * valid_mask
    return (past_lengths, user_embeddings, valid_mask)

if __name__ == "__main__":
    import jax
    _d = setup_inputs()
    print(jax.jit(kernel)(*tuple(_d.values())))

</pallas_src>

<mosaic_0001>
#map = affine_map<(d0, d1) -> (0, 0)>
module attributes {stable_mosaic.version = 14 : i64} {
  func.func @_sc_mask_body(%arg0: i32, %arg1: i32, %arg2: memref<6400x128xi32, #tpu.memory_space<hbm>>, %arg3: memref<6400x128xf32, #tpu.memory_space<hbm>>, %arg4: memref<200x128xi32, #tpu.memory_space<vmem>>, %arg5: memref<200x128xf32, #tpu.memory_space<vmem>>, %arg6: memref<!tpu.dma_semaphore, #tpu.memory_space<semaphore_mem>>, %arg7: memref<!tpu.dma_semaphore, #tpu.memory_space<semaphore_mem>>) attributes {dimension_semantics = [#tpu.dimension_semantics<core_parallel>, #tpu.dimension_semantics<subcore_parallel>], iteration_bounds = array<i64: 2, 16>, scalar_prefetch = 0 : i64, scratch_operands = 4 : i64, tpu.core_type = #tpu.core_type<sc_vector_subcore>, window_params = [{transform_indices = #map}, {transform_indices = #map}]} {
    %mul3A = arith.constant 2 : i32
    %mul3A_0 = arith.muli %arg1, %mul3A : i32
    %add3A = arith.addi %mul3A_0, %arg0 : i32
    %mul3A_1 = arith.constant 200 : i32
    %mul3A_2 = arith.muli %add3A, %mul3A_1 : i32
    %multiple_of3A = tpu.assume_multiple %mul3A_2, 8 : i32
    %dma_start3A = arith.constant 0 : i32
    %dma_start3A_3 = tpu.memref_slice %arg2[%multiple_of3A, %dma_start3A] : memref<6400x128xi32, #tpu.memory_space<hbm>> -> memref<200x128xi32, #tpu.memory_space<hbm>>
    %dma_start3A_4 = arith.constant 0 : i32
    %dma_start3A_5 = tpu.memref_slice %arg2[%multiple_of3A, %dma_start3A_4] : memref<6400x128xi32, #tpu.memory_space<hbm>> -> memref<200x128xi32, #tpu.memory_space<hbm>>
    tpu.enqueue_dma source(%dma_start3A_5 : memref<200x128xi32, #tpu.memory_space<hbm>>) target(%arg4 : memref<200x128xi32, #tpu.memory_space<vmem>>) target_semaphore(%arg6 : memref<!tpu.dma_semaphore, #tpu.memory_space<semaphore_mem>>)
    %dma_wait3A = arith.constant 0 : i32
    %dma_wait3A_6 = tpu.memref_slice %arg2[%multiple_of3A, %dma_wait3A] : memref<6400x128xi32, #tpu.memory_space<hbm>> -> memref<200x128xi32, #tpu.memory_space<hbm>>
    %dma_wait3A_7 = arith.constant 0 : i32
    %dma_wait3A_8 = tpu.memref_slice %arg2[%multiple_of3A, %dma_wait3A_7] : memref<6400x128xi32, #tpu.memory_space<hbm>> -> memref<200x128xi32, #tpu.memory_space<hbm>>
    tpu.wait_dma2 semaphore(%arg6 : memref<!tpu.dma_semaphore, #tpu.memory_space<semaphore_mem>>) src(%dma_wait3A_8 : memref<200x128xi32, #tpu.memory_space<hbm>>) dst(%arg4 : memref<200x128xi32, #tpu.memory_space<vmem>>)
    %parallel_loop3A = arith.constant 0 : i32
    %parallel_loop3A_9 = arith.constant 200 : i32
    %parallel_loop3A_10 = arith.constant 1 : i32
    scf.for %parallel_loop3A_19 = %parallel_loop3A to %parallel_loop3A_9 step %parallel_loop3A_10  : i32 {
      %parallel_loop3A_20 = arith.index_cast %parallel_loop3A_19 : i32 to index
      %parallel_loop3A_21 = arith.constant 0 : index
      %parallel_loop3A_22 = tpu.vector_load %arg4[%parallel_loop3A_20, %parallel_loop3A_21] {strides = array<i32>} : memref<200x128xi32, #tpu.memory_space<vmem>>, vector<1x16xi32>,
      %parallel_loop3A_23 = vector.shape_cast %parallel_loop3A_22 : vector<1x16xi32> to vector<16xi32>
      %parallel_loop3A_24 = arith.constant 0 : i32
      %parallel_loop3A_25 = vector.broadcast %parallel_loop3A_24 : i32 to vector<16xi32>
      %parallel_loop3A_26 = arith.cmpi ne, %parallel_loop3A_23, %parallel_loop3A_25 : vector<16xi32>
      %parallel_loop3A_27 = arith.constant 1.000000e+00 : f32
      %parallel_loop3A_28 = arith.constant 0.000000e+00 : f32
      %parallel_loop3A_29 = vector.broadcast %parallel_loop3A_27 : f32 to vector<16xf32>
      %parallel_loop3A_30 = vector.broadcast %parallel_loop3A_28 : f32 to vector<16xf32>
      %parallel_loop3A_31 = arith.select %parallel_loop3A_26, %parallel_loop3A_29, %parallel_loop3A_30 : vector<16xi1>, vector<16xf32>
      %parallel_loop3A_32 = arith.index_cast %parallel_loop3A_19 : i32 to index
      %parallel_loop3A_33 = arith.constant 0 : index
      %parallel_loop3A_34 = tpu.vector_load %arg5[%parallel_loop3A_32, %parallel_loop3A_33] {strides = array<i32>} : memref<200x128xf32, #tpu.memory_space<vmem>>, vector<1x16xf32>,
      %parallel_loop3A_35 = vector.shape_cast %parallel_loop3A_34 : vector<1x16xf32> to vector<16xf32>
      %parallel_loop3A_36 = vector.shape_cast %parallel_loop3A_31 : vector<16xf32> to vector<1x16xf32>
      tpu.vector_store %arg5[%parallel_loop3A_32, %parallel_loop3A_33], %parallel_loop3A_36 {strides = array<i32>} : memref<200x128xf32, #tpu.memory_space<vmem>>, vector<1x16xf32>,
      %parallel_loop3A_37 = arith.index_cast %parallel_loop3A_19 : i32 to index
      %parallel_loop3A_38 = arith.constant 16 : index
      %parallel_loop3A_39 = tpu.vector_load %arg4[%parallel_loop3A_37, %parallel_loop3A_38] {strides = array<i32>} : memref<200x128xi32, #tpu.memory_space<vmem>>, vector<1x16xi32>,
      %parallel_loop3A_40 = vector.shape_cast %parallel_loop3A_39 : vector<1x16xi32> to vector<16xi32>
      %parallel_loop3A_41 = arith.constant 0 : i32
      %parallel_loop3A_42 = vector.broadcast %parallel_loop3A_41 : i32 to vector<16xi32>
      %parallel_loop3A_43 = arith.cmpi ne, %parallel_loop3A_40, %parallel_loop3A_42 : vector<16xi32>
      %parallel_loop3A_44 = arith.constant 1.000000e+00 : f32
      %parallel_loop3A_45 = arith.constant 0.000000e+00 : f32
      %parallel_loop3A_46 = vector.broadcast %parallel_loop3A_44 : f32 to vector<16xf32>
      %parallel_loop3A_47 = vector.broadcast %parallel_loop3A_45 : f32 to vector<16xf32>
      %parallel_loop3A_48 = arith.select %parallel_loop3A_43, %parallel_loop3A_46, %parallel_loop3A_47 : vector<16xi1>, vector<16xf32>
      %parallel_loop3A_49 = arith.index_cast %parallel_loop3A_19 : i32 to index
      %parallel_loop3A_50 = arith.constant 16 : index
      %parallel_loop3A_51 = tpu.vector_load %arg5[%parallel_loop3A_49, %parallel_loop3A_50] {strides = array<i32>} : memref<200x128xf32, #tpu.memory_space<vmem>>, vector<1x16xf32>,
      %parallel_loop3A_52 = vector.shape_cast %parallel_loop3A_51 : vector<1x16xf32> to vector<16xf32>
      %parallel_loop3A_53 = vector.shape_cast %parallel_loop3A_48 : vector<16xf32> to vector<1x16xf32>
      tpu.vector_store %arg5[%parallel_loop3A_49, %parallel_loop3A_50], %parallel_loop3A_53 {strides = array<i32>} : memref<200x128xf32, #tpu.memory_space<vmem>>, vector<1x16xf32>,
      %parallel_loop3A_54 = arith.index_cast %parallel_loop3A_19 : i32 to index
      %parallel_loop3A_55 = arith.constant 32 : index
      %parallel_loop3A_56 = tpu.vector_load %arg4[%parallel_loop3A_54, %parallel_loop3A_55] {strides = array<i32>} : memref<200x128xi32, #tpu.memory_space<vmem>>, vector<1x16xi32>,
      %parallel_loop3A_57 = vector.shape_cast %parallel_loop3A_56 : vector<1x16xi32> to vector<16xi32>
      %parallel_loop3A_58 = arith.constant 0 : i32
      %parallel_loop3A_59 = vector.broadcast %parallel_loop3A_58 : i32 to vector<16xi32>
      %parallel_loop3A_60 = arith.cmpi ne, %parallel_loop3A_57, %parallel_loop3A_59 : vector<16xi32>
      %parallel_loop3A_61 = arith.constant 1.000000e+00 : f32
      %parallel_loop3A_62 = arith.constant 0.000000e+00 : f32
      %parallel_loop3A_63 = vector.broadcast %parallel_loop3A_61 : f32 to vector<16xf32>
      %parallel_loop3A_64 = vector.broadcast %parallel_loop3A_62 : f32 to vector<16xf32>
      %parallel_loop3A_65 = arith.select %parallel_loop3A_60, %parallel_loop3A_63, %parallel_loop3A_64 : vector<16xi1>, vector<16xf32>
      %parallel_loop3A_66 = arith.index_cast %parallel_loop3A_19 : i32 to index
      %parallel_loop3A_67 = arith.constant 32 : index
      %parallel_loop3A_68 = tpu.vector_load %arg5[%parallel_loop3A_66, %parallel_loop3A_67] {strides = array<i32>} : memref<200x128xf32, #tpu.memory_space<vmem>>, vector<1x16xf32>,
      %parallel_loop3A_69 = vector.shape_cast %parallel_loop3A_68 : vector<1x16xf32> to vector<16xf32>
      %parallel_loop3A_70 = vector.shape_cast %parallel_loop3A_65 : vector<16xf32> to vector<1x16xf32>
      tpu.vector_store %arg5[%parallel_loop3A_66, %parallel_loop3A_67], %parallel_loop3A_70 {strides = array<i32>} : memref<200x128xf32, #tpu.memory_space<vmem>>, vector<1x16xf32>,
      %parallel_loop3A_71 = arith.index_cast %parallel_loop3A_19 : i32 to index
      %parallel_loop3A_72 = arith.constant 48 : index
      %parallel_loop3A_73 = tpu.vector_load %arg4[%parallel_loop3A_71, %parallel_loop3A_72] {strides = array<i32>} : memref<200x128xi32, #tpu.memory_space<vmem>>, vector<1x16xi32>,
      %parallel_loop3A_74 = vector.shape_cast %parallel_loop3A_73 : vector<1x16xi32> to vector<16xi32>
      %parallel_loop3A_75 = arith.constant 0 : i32
      %parallel_loop3A_76 = vector.broadcast %parallel_loop3A_75 : i32 to vector<16xi32>
      %parallel_loop3A_77 = arith.cmpi ne, %parallel_loop3A_74, %parallel_loop3A_76 : vector<16xi32>
      %parallel_loop3A_78 = arith.constant 1.000000e+00 : f32
      %parallel_loop3A_79 = arith.constant 0.000000e+00 : f32
      %parallel_loop3A_80 = vector.broadcast %parallel_loop3A_78 : f32 to vector<16xf32>
      %parallel_loop3A_81 = vector.broadcast %parallel_loop3A_79 : f32 to vector<16xf32>
      %parallel_loop3A_82 = arith.select %parallel_loop3A_77, %parallel_loop3A_80, %parallel_loop3A_81 : vector<16xi1>, vector<16xf32>
      %parallel_loop3A_83 = arith.index_cast %parallel_loop3A_19 : i32 to index
      %parallel_loop3A_84 = arith.constant 48 : index
      %parallel_loop3A_85 = tpu.vector_load %arg5[%parallel_loop3A_83, %parallel_loop3A_84] {strides = array<i32>} : memref<200x128xf32, #tpu.memory_space<vmem>>, vector<1x16xf32>,
      %parallel_loop3A_86 = vector.shape_cast %parallel_loop3A_85 : vector<1x16xf32> to vector<16xf32>
      %parallel_loop3A_87 = vector.shape_cast %parallel_loop3A_82 : vector<16xf32> to vector<1x16xf32>
      tpu.vector_store %arg5[%parallel_loop3A_83, %parallel_loop3A_84], %parallel_loop3A_87 {strides = array<i32>} : memref<200x128xf32, #tpu.memory_space<vmem>>, vector<1x16xf32>,
      %parallel_loop3A_88 = arith.index_cast %parallel_loop3A_19 : i32 to index
      %parallel_loop3A_89 = arith.constant 64 : index
      %parallel_loop3A_90 = tpu.vector_load %arg4[%parallel_loop3A_88, %parallel_loop3A_89] {strides = array<i32>} : memref<200x128xi32, #tpu.memory_space<vmem>>, vector<1x16xi32>,
      %parallel_loop3A_91 = vector.shape_cast %parallel_loop3A_90 : vector<1x16xi32> to vector<16xi32>
      %parallel_loop3A_92 = arith.constant 0 : i32
      %parallel_loop3A_93 = vector.broadcast %parallel_loop3A_92 : i32 to vector<16xi32>
      %parallel_loop3A_94 = arith.cmpi ne, %parallel_loop3A_91, %parallel_loop3A_93 : vector<16xi32>
      %parallel_loop3A_95 = arith.constant 1.000000e+00 : f32
      %parallel_loop3A_96 = arith.constant 0.000000e+00 : f32
      %parallel_loop3A_97 = vector.broadcast %parallel_loop3A_95 : f32 to vector<16xf32>
      %parallel_loop3A_98 = vector.broadcast %parallel_loop3A_96 : f32 to vector<16xf32>
      %parallel_loop3A_99 = arith.select %parallel_loop3A_94, %parallel_loop3A_97, %parallel_loop3A_98 : vector<16xi1>, vector<16xf32>
      %parallel_loop3A_100 = arith.index_cast %parallel_loop3A_19 : i32 to index
      %parallel_loop3A_101 = arith.constant 64 : index
      %parallel_loop3A_102 = tpu.vector_load %arg5[%parallel_loop3A_100, %parallel_loop3A_101] {strides = array<i32>} : memref<200x128xf32, #tpu.memory_space<vmem>>, vector<1x16xf32>,
      %parallel_loop3A_103 = vector.shape_cast %parallel_loop3A_102 : vector<1x16xf32> to vector<16xf32>
      %parallel_loop3A_104 = vector.shape_cast %parallel_loop3A_99 : vector<16xf32> to vector<1x16xf32>
      tpu.vector_store %arg5[%parallel_loop3A_100, %parallel_loop3A_101], %parallel_loop3A_104 {strides = array<i32>} : memref<200x128xf32, #tpu.memory_space<vmem>>, vector<1x16xf32>,
      %parallel_loop3A_105 = arith.index_cast %parallel_loop3A_19 : i32 to index
      %parallel_loop3A_106 = arith.constant 80 : index
      %parallel_loop3A_107 = tpu.vector_load %arg4[%parallel_loop3A_105, %parallel_loop3A_106] {strides = array<i32>} : memref<200x128xi32, #tpu.memory_space<vmem>>, vector<1x16xi32>,
      %parallel_loop3A_108 = vector.shape_cast %parallel_loop3A_107 : vector<1x16xi32> to vector<16xi32>
      %parallel_loop3A_109 = arith.constant 0 : i32
      %parallel_loop3A_110 = vector.broadcast %parallel_loop3A_109 : i32 to vector<16xi32>
      %parallel_loop3A_111 = arith.cmpi ne, %parallel_loop3A_108, %parallel_loop3A_110 : vector<16xi32>
      %parallel_loop3A_112 = arith.constant 1.000000e+00 : f32
      %parallel_loop3A_113 = arith.constant 0.000000e+00 : f32
      %parallel_loop3A_114 = vector.broadcast %parallel_loop3A_112 : f32 to vector<16xf32>
      %parallel_loop3A_115 = vector.broadcast %parallel_loop3A_113 : f32 to vector<16xf32>
      %parallel_loop3A_116 = arith.select %parallel_loop3A_111, %parallel_loop3A_114, %parallel_loop3A_115 : vector<16xi1>, vector<16xf32>
      %parallel_loop3A_117 = arith.index_cast %parallel_loop3A_19 : i32 to index
      %parallel_loop3A_118 = arith.constant 80 : index
      %parallel_loop3A_119 = tpu.vector_load %arg5[%parallel_loop3A_117, %parallel_loop3A_118] {strides = array<i32>} : memref<200x128xf32, #tpu.memory_space<vmem>>, vector<1x16xf32>,
      %parallel_loop3A_120 = vector.shape_cast %parallel_loop3A_119 : vector<1x16xf32> to vector<16xf32>
      %parallel_loop3A_121 = vector.shape_cast %parallel_loop3A_116 : vector<16xf32> to vector<1x16xf32>
      tpu.vector_store %arg5[%parallel_loop3A_117, %parallel_loop3A_118], %parallel_loop3A_121 {strides = array<i32>} : memref<200x128xf32, #tpu.memory_space<vmem>>, vector<1x16xf32>,
      %parallel_loop3A_122 = arith.index_cast %parallel_loop3A_19 : i32 to index
      %parallel_loop3A_123 = arith.constant 96 : index
      %parallel_loop3A_124 = tpu.vector_load %arg4[%parallel_loop3A_122, %parallel_loop3A_123] {strides = array<i32>} : memref<200x128xi32, #tpu.memory_space<vmem>>, vector<1x16xi32>,
      %parallel_loop3A_125 = vector.shape_cast %parallel_loop3A_124 : vector<1x16xi32> to vector<16xi32>
      %parallel_loop3A_126 = arith.constant 0 : i32
      %parallel_loop3A_127 = vector.broadcast %parallel_loop3A_126 : i32 to vector<16xi32>
      %parallel_loop3A_128 = arith.cmpi ne, %parallel_loop3A_125, %parallel_loop3A_127 : vector<16xi32>
      %parallel_loop3A_129 = arith.constant 1.000000e+00 : f32
      %parallel_loop3A_130 = arith.constant 0.000000e+00 : f32
      %parallel_loop3A_131 = vector.broadcast %parallel_loop3A_129 : f32 to vector<16xf32>
      %parallel_loop3A_132 = vector.broadcast %parallel_loop3A_130 : f32 to vector<16xf32>
      %parallel_loop3A_133 = arith.select %parallel_loop3A_128, %parallel_loop3A_131, %parallel_loop3A_132 : vector<16xi1>, vector<16xf32>
      %parallel_loop3A_134 = arith.index_cast %parallel_loop3A_19 : i32 to index
      %parallel_loop3A_135 = arith.constant 96 : index
      %parallel_loop3A_136 = tpu.vector_load %arg5[%parallel_loop3A_134, %parallel_loop3A_135] {strides = array<i32>} : memref<200x128xf32, #tpu.memory_space<vmem>>, vector<1x16xf32>,
      %parallel_loop3A_137 = vector.shape_cast %parallel_loop3A_136 : vector<1x16xf32> to vector<16xf32>
      %parallel_loop3A_138 = vector.shape_cast %parallel_loop3A_133 : vector<16xf32> to vector<1x16xf32>
      tpu.vector_store %arg5[%parallel_loop3A_134, %parallel_loop3A_135], %parallel_loop3A_138 {strides = array<i32>} : memref<200x128xf32, #tpu.memory_space<vmem>>, vector<1x16xf32>,
      %parallel_loop3A_139 = arith.index_cast %parallel_loop3A_19 : i32 to index
      %parallel_loop3A_140 = arith.constant 112 : index
      %parallel_loop3A_141 = tpu.vector_load %arg4[%parallel_loop3A_139, %parallel_loop3A_140] {strides = array<i32>} : memref<200x128xi32, #tpu.memory_space<vmem>>, vector<1x16xi32>,
      %parallel_loop3A_142 = vector.shape_cast %parallel_loop3A_141 : vector<1x16xi32> to vector<16xi32>
      %parallel_loop3A_143 = arith.constant 0 : i32
      %parallel_loop3A_144 = vector.broadcast %parallel_loop3A_143 : i32 to vector<16xi32>
      %parallel_loop3A_145 = arith.cmpi ne, %parallel_loop3A_142, %parallel_loop3A_144 : vector<16xi32>
      %parallel_loop3A_146 = arith.constant 1.000000e+00 : f32
      %parallel_loop3A_147 = arith.constant 0.000000e+00 : f32
      %parallel_loop3A_148 = vector.broadcast %parallel_loop3A_146 : f32 to vector<16xf32>
      %parallel_loop3A_149 = vector.broadcast %parallel_loop3A_147 : f32 to vector<16xf32>
      %parallel_loop3A_150 = arith.select %parallel_loop3A_145, %parallel_loop3A_148, %parallel_loop3A_149 : vector<16xi1>, vector<16xf32>
      %parallel_loop3A_151 = arith.index_cast %parallel_loop3A_19 : i32 to index
      %parallel_loop3A_152 = arith.constant 112 : index
      %parallel_loop3A_153 = tpu.vector_load %arg5[%parallel_loop3A_151, %parallel_loop3A_152] {strides = array<i32>} : memref<200x128xf32, #tpu.memory_space<vmem>>, vector<1x16xf32>,
      %parallel_loop3A_154 = vector.shape_cast %parallel_loop3A_153 : vector<1x16xf32> to vector<16xf32>
      %parallel_loop3A_155 = vector.shape_cast %parallel_loop3A_150 : vector<16xf32> to vector<1x16xf32>
      tpu.vector_store %arg5[%parallel_loop3A_151, %parallel_loop3A_152], %parallel_loop3A_155 {strides = array<i32>} : memref<200x128xf32, #tpu.memory_space<vmem>>, vector<1x16xf32>,
    } {sc.loop_unroll_factor = 2 : i64, sc.parallel_access}
    %dma_start3A_11 = arith.constant 0 : i32
    %dma_start3A_12 = tpu.memref_slice %arg3[%multiple_of3A, %dma_start3A_11] : memref<6400x128xf32, #tpu.memory_space<hbm>> -> memref<200x128xf32, #tpu.memory_space<hbm>>
    %dma_start3A_13 = arith.constant 0 : i32
    %dma_start3A_14 = tpu.memref_slice %arg3[%multiple_of3A, %dma_start3A_13] : memref<6400x128xf32, #tpu.memory_space<hbm>> -> memref<200x128xf32, #tpu.memory_space<hbm>>
    tpu.enqueue_dma source(%arg5 : memref<200x128xf32, #tpu.memory_space<vmem>>) target(%dma_start3A_14 : memref<200x128xf32, #tpu.memory_space<hbm>>) target_semaphore(%arg7 : memref<!tpu.dma_semaphore, #tpu.memory_space<semaphore_mem>>)
    %dma_wait3A_15 = arith.constant 0 : i32
    %dma_wait3A_16 = tpu.memref_slice %arg3[%multiple_of3A, %dma_wait3A_15] : memref<6400x128xf32, #tpu.memory_space<hbm>> -> memref<200x128xf32, #tpu.memory_space<hbm>>
    %dma_wait3A_17 = arith.constant 0 : i32
    %dma_wait3A_18 = tpu.memref_slice %arg3[%multiple_of3A, %dma_wait3A_17] : memref<6400x128xf32, #tpu.memory_space<hbm>> -> memref<200x128xf32, #tpu.memory_space<hbm>>
    tpu.wait_dma2 semaphore(%arg7 : memref<!tpu.dma_semaphore, #tpu.memory_space<semaphore_mem>>) src(%arg5 : memref<200x128xf32, #tpu.memory_space<vmem>>) dst(%dma_wait3A_18 : memref<200x128xf32, #tpu.memory_space<hbm>>)
    return
  }
}

module attributes {stable_mosaic.version = 14 : i64} {
  func.func @_tc_body(%arg0: i32, %arg1: memref<1x1x4096xi32, #tpu.memory_space<vmem>>, %arg2: memref<1x64x4096xf32, #tpu.memory_space<vmem>>, %arg3: memref<1x64x1xf32, #tpu.memory_space<vmem>>, %arg4: memref<1x64x4096xf32, #tpu.memory_space<vmem>>) attributes {dimension_semantics = [#tpu.dimension_semantics<arbitrary>], iteration_bounds = array<i64: 200>, scalar_prefetch = 0 : i64, scratch_operands = 0 : i64, tpu.core_type = #tpu.core_type<tc>, window_params = [{transform_indices = @transform_0, window_bounds = array<i64: 1, 1, 4096>}, {transform_indices = @transform_1, window_bounds = array<i64: 1, 64, 4096>}, {transform_indices = @transform_2, window_bounds = array<i64: 1, 64, 1>}, {transform_indices = @transform_3, window_bounds = array<i64: 1, 64, 4096>}]} {
    %get3A = arith.constant 0 : index
    %get3A_0 = arith.constant 0 : index
    %get3A_1 = arith.constant 0 : index
    %get3A_2 = vector.load %arg1[%get3A, %get3A_0, %get3A_1] : memref<1x1x4096xi32, #tpu.memory_space<vmem>>, vector<1x1x4096xi32>
    %ne3A = arith.constant 0 : i32
    %ne3A_3 = vector.broadcast %ne3A : i32 to vector<1x1x4096xi32>
    %ne3A_4 = arith.cmpi ne, %get3A_2, %ne3A_3 : vector<1x1x4096xi32>
    %convert_element_type3A = arith.extui %ne3A_4 : vector<1x1x4096xi1> to vector<1x1x4096xi32>
    %convert_element_type3A_5 = arith.sitofp %convert_element_type3A : vector<1x1x4096xi32> to vector<1x1x4096xf32>
    %get3A_6 = arith.constant 0 : index
    %get3A_7 = arith.constant 0 : index
    %get3A_8 = arith.constant 0 : index
    %get3A_9 = vector.load %arg2[%get3A_6, %get3A_7, %get3A_8] : memref<1x64x4096xf32, #tpu.memory_space<vmem>>, vector<1x64x4096xf32>
    %mul3A = arith.constant 8.000000e+00 : f32
    %mul3A_10 = vector.broadcast %mul3A : f32 to vector<1x64x4096xf32>
    %mul3A_11 = arith.mulf %get3A_9, %mul3A_10 : vector<1x64x4096xf32>
    %get3A_12 = arith.constant 0 : index
    %get3A_13 = arith.constant 0 : index
    %get3A_14 = arith.constant 0 : index
    %get3A_15 = vector.load %arg3[%get3A_12, %get3A_13, %get3A_14] : memref<1x64x1xf32, #tpu.memory_space<vmem>>, vector<1x64x1xf32>
    %add3A = vector.broadcast %get3A_15 : vector<1x64x1xf32> to vector<1x64x4096xf32>
    %add3A_16 = arith.addf %mul3A_11, %add3A : vector<1x64x4096xf32>
    %mul3A_17 = vector.broadcast %convert_element_type3A_5 : vector<1x1x4096xf32> to vector<1x64x4096xf32>
    %mul3A_18 = arith.mulf %add3A_16, %mul3A_17 : vector<1x64x4096xf32>
    %swap3A = arith.constant 0 : index
    %swap3A_19 = arith.constant 0 : index
    %swap3A_20 = arith.constant 0 : index
    %swap3A_21 = vector.load %arg4[%swap3A, %swap3A_19, %swap3A_20] : memref<1x64x4096xf32, #tpu.memory_space<vmem>>, vector<1x64x4096xf32>
    tpu.vector_store %arg4[%swap3A, %swap3A_19, %swap3A_20], %mul3A_18 {strides = array<i32>} : memref<1x64x4096xf32, #tpu.memory_space<vmem>>, vector<1x64x4096xf32>,
    return
  }
  func.func @transform_0(%arg0: i32) -> (i32, i32, i32) {
    %c0_i32 = arith.constant 0 : i32
    %c0_i32_0 = arith.constant 0 : i32
    %c0_i32_1 = arith.constant 0 : i32
    return %arg0, %c0_i32, %c0_i32_0 : i32, i32, i32
  }
  func.func @transform_1(%arg0: i32) -> (i32, i32, i32) {
    %c0_i32 = arith.constant 0 : i32
    %c0_i32_0 = arith.constant 0 : i32
    %c0_i32_1 = arith.constant 0 : i32
    return %arg0, %c0_i32, %c0_i32_0 : i32, i32, i32
  }
  func.func @transform_2(%arg0: i32) -> (i32, i32, i32) {
    %c0_i32 = arith.constant 0 : i32
    %c0_i32_0 = arith.constant 0 : i32
    %c0_i32_1 = arith.constant 0 : i32
    return %arg0, %c0_i32, %c0_i32_0 : i32, i32, i32
  }
  func.func @transform_3(%arg0: i32) -> (i32, i32, i32) {
    %c0_i32 = arith.constant 0 : i32
    %c0_i32_0 = arith.constant 0 : i32
    %c0_i32_1 = arith.constant 0 : i32
    return %arg0, %c0_i32, %c0_i32_0 : i32, i32, i32
  }
}

</mosaic_0001>

<sc_bundles>
// kernel: kernel.4.cloned.1.call-start
scs
__scs_entry_jumppad:
0x0: {  	(pc) =	sbr.rel $0x88, $3  }
0x1: {  	(tag) =	ssettag $0x0;
	lr =	simm.s32 $0x1  }
0x2: {  	[smem:$0x3F9D] =	sst lr;
	_ =	strace $0xD0000000  }
0x3: {  	_ = 	snop  }
0x4: {  	_ = 	snop  }
0x5: {  	_ = 	snop  }
0x6: {  	_ = 	snop  }
0x7: {  	_ = 	snop  }
__scs_overlays_trampoline_lowered:
0x8: {  	[smem:$0x3FAC] =	sst s0  }
0x9: {  	[smem:$0x3FAD] =	sst s1  }
0xa: {  	[smem:$0x3FAE] =	sst s2  }
0xb: {  	[smem:$0x3FAF] =	sst s3  }
0xc: {  	[smem:$0x3FB0] =	sst s4  }
0xd: {  	[smem:$0x3FB1] =	sst s5  }
0xe: {  	[smem:$0x3FB2] =	sst s6  }
0xf: {  	[smem:$0x3FB3] =	sst s7  }
0x10: {  	[smem:$0x3FB4] =	sst s8  }
0x11: {  	[smem:$0x3FB5] =	sst s9;
	s0 =	simm.s32 @!p0 $0x0  }
0x12: {  	s1 =	sld [smem:$0x3F9B];
	s0 =	simm.s32 @p0 $0x1  }
0x13: {  	[smem:$0x3FB6] =	sst s0;
	s0 =	simm.s32 @!p1 $0x0  }
0x14: {  	s2 =	sld [smem:$0x3F9A];
	s0 =	simm.s32 @p1 $0x1  }
0x15: {  	[smem:$0x3FB7] =	sst s0;
	s0 =	simm.s32 @!p2 $0x0  }
0x16: {  	s3 =	sld [smem:$0x3FDB];
	s0 =	simm.s32 @p2 $0x1  }
0x17: {  	s4 =	simm.s32 $0x1BF5;
	[smem:$0x3FB9] =	sst s0  }
0x18: {  	s0 =	sld [smem:$0x3F9C];
	_ =	swait.ge [sflag:s4], $0x0  }
0x19: {  	s7 =	sld [smem:$0x3F9D]  }
0x1a: {  	s8 =	sadd.s32 $0xFFFFE003, lr  }
0x1b: {  	s9 =	sadd.s32 $0xFFFFFEF7, lr;
	s5 =	simm.s32 $0xFFFFFFFF;
	p2 =	slt.u32 s8, $0xFFFFF086  }
0x1c: {  	p1 =	slt.u32 s9, $0xF7A;
	s5 =	simm.s32 @!p2 $0x0  }
0x1d: {  	s5 =	simm.s32 @p1 $0x1;
	p0 =	seq.s32 s7, s2  }
0x1e: {  	s7 =	smul.u32 @!p0 $0xF7A, s2;
	p2 =	seq.s32 @!p0 s5, $0x0  }
0x1f: {  	s9 =	smul.u32 $0xF7A, s1;
	s8 =	simm.s32 @!p0 $0x1BF5;
	p2 =	por !p2, p0  }
0x20: {  	[sflag:s8] =	ssyncset.s32 @!p0 $0xFFFFF086;
	s6 =	sadd.s32 @!p0 s3, s7;
	s7 =	simm.s32 @!p0 $0x108  }
0x21: {  	s3 =	sadd.s32 s3, s9;
	s6 =	sadd.s32 @!p0 $0x88, s6;
	s7 =	simm.s32 @p2 $0x1082  }
0x22: {  	[simem:s7], [sflag:s8] =	dma.local @!p0 [hbm:s6], $0xF7A  }
0x23: {  	s9 =	sor.u32 $0xD0000000, s2;
	s6 =	simm.s32 $0x108;
	_ =	swait.ge @!p0 [sflag:s8], $0x0  }
0x24: {  	s3 =	sadd.s32 $0x88, s3;
	s6 =	simm.s32 @!p1 $0x1082;
	[sflag:s4] =	ssyncset.s32 $0xFFFFF086  }
0x25: {  	[simem:s6], [sflag:s4] =	dma.local [hbm:s3], $0xF7A  }
0x26: {  	[smem:$0x3F9D] =	sst s1;
	(tag) =	ssettag s2;
	_ =	strace s9  }
0x27: {  	s1 =	sld [smem:$0x3FAD]  }
0x28: {  	s2 =	sld [smem:$0x3FAE]  }
0x29: {  	s4 =	sld [smem:$0x3FB0]  }
0x2a: {  	p0 =	seq.s32 s5, $0x0;
	s5 =	sld [smem:$0x3FB1]  }
0x2b: {  	s6 =	sld [smem:$0x3FB2]  }
0x2c: {  	s7 =	sld [smem:$0x3FB3]  }
0x2d: {  	s3 =	simm.s32 $0x108;
	s8 =	sld [smem:$0x3FB4]  }
0x2e: {  	s3 =	simm.s32 @!p0 $0x1082;
	s9 =	sld [smem:$0x3FB5]  }
0x2f: {  	lr =	sadd.s32 s0, s3;
	s0 =	sld [smem:$0x3FAC]  }
0x30: {  	s3 =	sld [smem:$0x3FAF]  }
0x31: {  	[smem:$0x3FB8] =	sst s10  }
0x32: {  	s10 =	sld [smem:$0x3FB6];
	_ =	sdelay $0x3  }
0x33: {  	p0 =	seq.s32 s10, $0x1;
	s10 =	sld [smem:$0x3FB8];
	_ =	sdelay $0x3  }
0x34: {  	[smem:$0x3FB8] =	sst s10  }
0x35: {  	s10 =	sld [smem:$0x3FB7];
	_ =	sdelay $0x3  }
0x36: {  	p1 =	seq.s32 s10, $0x1;
	s10 =	sld [smem:$0x3FB8];
	_ =	sdelay $0x3  }
0x37: {  	[smem:$0x3FB8] =	sst s10  }
0x38: {  	s10 =	sld [smem:$0x3FB9]  }
0x39: {  	_ = 	snop;
	(pc) =	sbr.ind lr, $3  }
0x3a: {  	_ = 	snop  }
0x3b: {  	_ = 	snop  }
0x3c: {  	p2 =	seq.s32 s10, $0x1;
	s10 =	sld [smem:$0x3FB8]  }
0x3d: {  	_ =	shalt  }
0x3e: {  	_ =	shalt  }
0x3f: {  	_ =	shalt  }
0x40: {  	_ =	shalt  }
0x41: {  	_ =	shalt  }
0x42: {  	_ =	shalt  }
0x43: {  	_ =	shalt  }
0x44: {  	_ =	shalt  }
0x45: {  	_ =	shalt  }
0x46: {  	_ =	shalt  }
0x47: {  	_ =	shalt  }
0x48: {  	_ =	shalt  }
0x49: {  	_ =	shalt  }
0x4a: {  	_ =	shalt  }
0x4b: {  	_ =	shalt  }
0x4c: {  	_ =	shalt  }
0x4d: {  	_ =	shalt  }
0x4e: {  	_ =	shalt  }
0x4f: {  	_ =	shalt  }
0x50: {  	_ =	shalt  }
0x51: {  	_ =	shalt  }
0x52: {  	_ =	shalt  }
0x53: {  	_ =	shalt  }
0x54: {  	_ =	shalt  }
0x55: {  	_ =	shalt  }
0x56: {  	_ =	shalt  }
0x57: {  	_ =	shalt  }
0x58: {  	_ =	shalt  }
0x59: {  	_ =	shalt  }
0x5a: {  	_ =	shalt  }
0x5b: {  	_ =	shalt  }
0x5c: {  	_ =	shalt  }
0x5d: {  	_ =	shalt  }
0x5e: {  	_ =	shalt  }
0x5f: {  	_ =	shalt  }
0x60: {  	_ =	shalt  }
0x61: {  	_ =	shalt  }
0x62: {  	_ =	shalt  }
0x63: {  	_ =	shalt  }
0x64: {  	_ =	shalt  }
0x65: {  	_ =	shalt  }
0x66: {  	_ =	shalt  }
0x67: {  	_ =	shalt  }
0x68: {  	_ =	shalt  }
0x69: {  	_ =	shalt  }
0x6a: {  	_ =	shalt  }
0x6b: {  	_ =	shalt  }
0x6c: {  	_ =	shalt  }
0x6d: {  	_ =	shalt  }
0x6e: {  	_ =	shalt  }
0x6f: {  	_ =	shalt  }
0x70: {  	_ =	shalt  }
0x71: {  	_ =	shalt  }
0x72: {  	_ =	shalt  }
0x73: {  	_ =	shalt  }
0x74: {  	_ =	shalt  }
0x75: {  	_ =	shalt  }
0x76: {  	_ =	shalt  }
0x77: {  	_ =	shalt  }
0x78: {  	_ =	shalt  }
0x79: {  	_ =	shalt  }
0x7a: {  	_ =	shalt  }
0x7b: {  	_ =	shalt  }
0x7c: {  	_ =	shalt  }
0x7d: {  	_ =	shalt  }
0x7e: {  	_ =	shalt  }
0x7f: {  	_ =	shalt  }
0x80: {  	_ =	shalt  }
0x81: {  	_ =	shalt  }
0x82: {  	_ =	shalt  }
0x83: {  	_ =	shalt  }
0x84: {  	_ =	shalt  }
0x85: {  	_ =	shalt  }
0x86: {  	_ =	shalt  }
0x87: {  	_ =	shalt  }
.Lfunc_end0:
.L_simem_size_0:
called_computation_lowered:
.L_overlay_start_0:
0x88: {  	s2 =	sld [smem:$0x3FD9]  }
0x89: {  	s3 =	sld [smem:$0x3FFE];
	_ =	sdelay $0x1  }
0x8a: {  	s1 =	srdreg.scid  }
0x8b: {  	s0 =	sand.u32 $0x1, s1  }
0x8c: {  	s14 =	sshll.u32 s0, $0xA;
	s2 =	sadd.s32 s3, s2  }
0x8d: {  	s2 =	sadd.s32 s2, s14  }
0x8e: {  	[smem:$0x3FC4] =	sst s2  }
0x8f: {  	_ = 	snop  }
0x90: {  	s2 =	sld [smem:$0x3FD0];
	_ =	sdelay $0x2  }
0x91: {  	s15 =	simm.s32 $0xA;
	s4 =	simm.s32 $0x10  }
0x92: {  	[smem:s4], [sflag:s15] =	dma.local [hbm:s2], $0x1  }
0x93: {  	_ =	swait.eq [sflag:s15], $0x1  }
0x94: {  	[sflag:s15] =	ssyncset.done $0x0  }
0x95: {  	[sflag:s15] =	ssyncadd.s32 $0xFFFFFFFF  }
0x96: {  	s16 =	sld [smem:$0x12];
	(tm) =	ssettm $0x1  }
0x97: {  	s17 =	sld [smem:$0x3FFB];
	_ =	sdelay $0x3  }
0x98: {  	_ =	strace s17  }
0x99: {  	s3 =	sld [smem:$0x3FFC];
	_ =	sdelay $0x3  }
0x9a: {  	_ =	strace s3  }
0x9b: {  	s3 =	sld [smem:$0x3FFD];
	_ =	sdelay $0x3  }
0x9c: {  	_ =	strace s3  }
0x9d: {  	_ =	strace $0x8FFFFFFF  }
0x9e: {  	s18 =	sld [smem:$0x3FDB];
	_ =	sdelay $0x1  }
0x9f: {  	s19 =	simm.s32 $_scs_section_size  }
0xa0: {  	s5 =	simm.s32 $_size__tile_overlayer_lowered;
	s6 =	simm.s32 $_tile_overlayer_lowered  }
0xa1: {  	s22 =	simm.s32 $0x1BFF;
	s21 =	sshll.u32 s6, $0x1;
	s3 =	sadd.s32 s19, s18  }
0xa2: {  	s7 =	simm.s32 $0x0;
	s20 =	sshll.u32 s5, $0x1;
	s5 =	sadd.s32 s21, s3  }
0xa3: {  	[timem:s7], [sflag:s22] =	dma.local [hbm:s5], s20  }
0xa4: {  	_ =	swait.ge [sflag:s22], s20  }
0xa5: {  	s4 =	ssub.s32 $0x0, s20;
	[sflag:s22] =	ssyncset.done $0x0  }
0xa6: {  	[sflag:s22] =	ssyncadd.s32 s4;
	_ =	sdelay $0x1  }
0xa7: {  	s23 =	simm.s32 $0x1B8B  }
0xa8: {  	_ =	swait.ge [sflag:s23], $0x1  }
0xa9: {  	[sflag:s23] =	ssyncset.done $0x0  }
0xaa: {  	s25 =	simm.s32 $0x1B8E;
	s24 =	sld [smem:$0x3FFE];
	[sflag:s23] =	ssyncadd.s32 $0xFFFFFFFF  }
0xab: {  	s26 =	simm.s32 $execute0_lowered;
	[smem:$0x3FD2] =	sst s25  }
0xac: {  	s5 =	sshll.u32 s26, $0x1;
	_ =	strace $0x80000046;
	[dreg:$0x1] =	wrdreg $0xFFFFFFFF  }
0xad: {  	s28 =	simm.s32 $_size_execute0_lowered;
	s3 =	sadd.s32 s3, s5;
	[dreg:$0x0] =	wrdreg $0x0  }
0xae: {  	s5 =	sshll.u32 s28, $0x1;
	[dreg:$0x2] =	wrdreg s3  }
0xaf: {  	[dreg:$0x3] =	wrdreg s5  }
0xb0: {  	[dreg:$0x4] =	wrdreg $0xC0  }
0xb1: {  	_ =	task [dreg:s7], $0x5FFFF  }
0xb2: {  	[dreg:$0x1] =	wrdreg $0xFFFFFFFF  }
0xb3: {  	[dreg:$0x0] =	wrdreg $0x60  }
0xb4: {  	[dreg:$0x2] =	wrdreg s16  }
0xb5: {  	[dreg:$0x3] =	wrdreg s24  }
0xb6: {  	[dreg:$0x4] =	wrdreg $0x9  }
0xb7: {  	_ =	task.clear_ibuf [dreg:s7], $0x5FFFF;
	_ =	strace $0x90000046  }
0xb8: {  	s29 =	simm.s32 $0x9;
	_ =	strace $0x80000048  }
0xb9: {  	_ =	swait.ge [sflag:s29], $0x1  }
0xba: {  	[sflag:s29] =	ssyncadd.s32 $0xFFFFFFFF  }
0xbb: {  	_ =	strace $0x90000048  }
0xbc: {  	_ =	sfence  }
0xbd: {  	s30 =	sld [smem:$0x0];
	_ =	sdelay $0x2  }
0xbe: {  	s31 =	sshll.u32 s1, $0xD;
	s1 =	sshrl.u32 s1, $0x2  }
0xbf: {  	s3 =	sand.u32 $0x4000, s31;
	s1 =	sadd.s32 s1, s30  }
0xc0: {  	s0 =	sor.u32 s3, s0;
	s1 =	sshll.u32 s1, $0x11  }
0xc1: {  	s0 =	sor.u32 s1, s0  }
0xc2: {  	s0 =	sadd.s32 $0x8F2B, s0  }
0xc3: {  	[sflag:s0] =	ssyncadd.remote.s32 $0x1  }
0xc4: {  	_ =	sfence.sel $0xFFFF  }
0xc5: {  	[dreg:$0x0] =	wrdreg $0xFFFFFFFF;
	(pc) =	sbr.abs _section_cstart, $3  }
0xc6: {  	[dreg:$0x1] =	wrdreg $0xFFFFFFFF  }
0xc7: {  	_ =	task.clear_ibuf [dreg:s7], $0x2FFFF;
	_ =	strace $0x9FFFFFFF  }
0xc8: {  	(tm) =	ssettm $0x7FFFFFFF  }
0xc9: {  	_ =	shalt  }
tec
execute0_lowered:
.L_overlay_start_1:
0x0: {  	(tag) =	ssettag $0x1  }
0x1: {  	s3 =	rddreg [dreg:$0x0];
	s1 =	srdreg.scid  }
0x2: {  	s0 =	stileid.u32;
	s4 =	rddreg [dreg:$0x1];
	s2 =	simm.s32 $0x0  }
0x3: {  	s8 =	simm.s32 $0x2;
	s5 =	sand.u32 $0x1, s1;
	s6 =	sshll.u32 s0, $0x1  }
0x4: {  	s9 =	simm.s32 $0x0;
	s6 =	sor.u32 s5, s6;
	s5 =	ssub.s32 $0x2, s5  }
0x5: {  	[smem:$0x7FF] =	sst s2;
	s6 =	smul.u32 $0xC80, s6;
	s7 =	sshrl.u32 s5, $0x1  }
0x6: {  	s1 =	rddreg [dreg:$0x2];
	_ =	strace $0x80000047;
	s5 =	ssub.s32 s5, s7  }
0x7: {  	s7 =	simm.s32 $0x6400;
	s4 =	sadd.s32 s6, s4;
	s3 =	sadd.s32 s3, s6  }
0x8: {  	v0 =	vimm.f32 $1.000000000e+00;
	s5 =	smax.u32 s5, $0x1;
	s6 =	simm.s32 $0x1;
	s4 =	sadd.s32 $0xA00, s4  }
.LBB2_1:
0x9: {  	[tilespmem:s2], [sflag:$0x1] =	stream.linear.gather [hbm4b:s3+s2], $0x6400, $0x38;
	[tilespmem:$0xC800] =	vst v63  }
0xa: {  	_ =	swait.ge [sflag:s6], $0x6400  }
0xb: {  	[sflag:s6] =	ssyncset.done $0x0  }
0xc: {  	s16 =	simm.s32 $0x80;
	[sflag:s6] =	ssyncadd.s32 $0xFFFF9C00  }
0xd: {  	v1 =	vld [tilespmem:s16+$0x0];
	_ =	sdelay $0x3  }
0xe: {  	v2 =	vld [tilespmem:s16+$0xFFFFFF80]  }
0xf: {  	vm0 =	veq.s32 v1, $0x0  }
0x10: {  	s10 =	simm.s32 $0x6480;
	v1 =	vsel vm0, $0x0, v0  }
0x11: {  	[tilespmem:s10+$0x0] =	vst v1  }
0x12: {  	v1 =	vld [tilespmem:s16+$0x10]  }
0x13: {  	vm0 =	veq.s32 v2, $0x0  }
0x14: {  	v2 =	vsel vm0, $0x0, v0  }
0x15: {  	[tilespmem:s10+$0xFFFFFF80] =	vst v2  }
0x16: {  	v2 =	vld [tilespmem:s16+$0xFFFFFF90]  }
0x17: {  	vm0 =	veq.s32 v1, $0x0  }
0x18: {  	s12 =	simm.s32 $0x180;
	v1 =	vsel vm0, $0x0, v0  }
0x19: {  	[tilespmem:s10+$0x10] =	vst v1;
	v1 =	vld [tilespmem:s12+$0x0]  }
0x1a: {  	v3 =	vld [tilespmem:s16+$0x20]  }
0x1b: {  	vm0 =	veq.s32 v2, $0x0  }
0x1c: {  	v2 =	vsel vm0, $0x0, v0  }
0x1d: {  	[tilespmem:s10+$0xFFFFFF90] =	vst v2;
	v2 =	vld [tilespmem:s12+$0xFFFFFF80]  }
0x1e: {  	vm0 =	veq.s32 v1, $0x0;
	v1 =	vld [tilespmem:s16+$0xFFFFFFA0]  }
0x1f: {  	s11 =	simm.s32 $0x6580;
	v4 =	vsel vm0, $0x0, v0;
	vm0 =	veq.s32 v3, $0x0  }
0x20: {  	[tilespmem:s11+$0x0] =	vst v4;
	v3 =	vsel vm0, $0x0, v0  }
0x21: {  	v4 =	vld [tilespmem:s12+$0x10];
	[tilespmem:s10+$0x20] =	vst v3  }
0x22: {  	vm0 =	veq.s32 v2, $0x0;
	v2 =	vld [tilespmem:s16+$0x30]  }
0x23: {  	v3 =	vsel vm0, $0x0, v0;
	vm0 =	veq.s32 v1, $0x0  }
0x24: {  	[tilespmem:s11+$0xFFFFFF80] =	vst v3;
	v1 =	vsel vm0, $0x0, v0  }
0x25: {  	v3 =	vld [tilespmem:s12+$0xFFFFFF90];
	[tilespmem:s10+$0xFFFFFFA0] =	vst v1  }
0x26: {  	vm0 =	veq.s32 v4, $0x0;
	v1 =	vld [tilespmem:s16+$0xFFFFFFB0]  }
0x27: {  	s13 =	simm.s32 $0x280;
	v4 =	vsel vm0, $0x0, v0;
	vm0 =	veq.s32 v2, $0x0  }
0x28: {  	[tilespmem:s11+$0x10] =	vst v4;
	v2 =	vsel vm0, $0x0, v0;
	v4 =	vld [tilespmem:s13+$0x0]  }
0x29: {  	[tilespmem:s10+$0x30] =	vst v2;
	v2 =	vld [tilespmem:s12+$0x20]  }
0x2a: {  	vm0 =	veq.s32 v3, $0x0;
	v3 =	vld [tilespmem:s16+$0x40]  }
0x2b: {  	v5 =	vsel vm0, $0x0, v0;
	vm0 =	veq.s32 v1, $0x0  }
0x2c: {  	[tilespmem:s11+$0xFFFFFF90] =	vst v5;
	v5 =	vld [tilespmem:s13+$0xFFFFFF80];
	v1 =	vsel vm0, $0x0, v0  }
0x2d: {  	[tilespmem:s10+$0xFFFFFFB0] =	vst v1;
	vm0 =	veq.s32 v4, $0x0;
	v1 =	vld [tilespmem:s12+$0xFFFFFFA0]  }
0x2e: {  	s14 =	simm.s32 $0x6680;
	v4 =	vsel vm0, $0x0, v0;
	vm0 =	veq.s32 v2, $0x0;
	v2 =	vld [tilespmem:s16+$0xFFFFFFC0]  }
0x2f: {  	[tilespmem:s14+$0x0] =	vst v4;
	v4 =	vsel vm0, $0x0, v0;
	vm0 =	veq.s32 v3, $0x0  }
0x30: {  	v3 =	vld [tilespmem:s13+$0x10];
	[tilespmem:s11+$0x20] =	vst v4;
	v4 =	vsel vm0, $0x0, v0  }
0x31: {  	vm0 =	veq.s32 v5, $0x0;
	v5 =	vld [tilespmem:s12+$0x30];
	[tilespmem:s10+$0x40] =	vst v4  }
0x32: {  	v4 =	vsel vm0, $0x0, v0;
	vm0 =	veq.s32 v1, $0x0;
	v1 =	vld [tilespmem:s16+$0x50]  }
0x33: {  	[tilespmem:s14+$0xFFFFFF80] =	vst v4;
	v4 =	vsel vm0, $0x0, v0;
	vm0 =	veq.s32 v2, $0x0  }
0x34: {  	v2 =	vld [tilespmem:s13+$0xFFFFFF90];
	[tilespmem:s11+$0xFFFFFFA0] =	vst v4;
	v4 =	vsel vm0, $0x0, v0  }
0x35: {  	vm0 =	veq.s32 v3, $0x0;
	v3 =	vld [tilespmem:s12+$0xFFFFFFB0];
	[tilespmem:s10+$0xFFFFFFC0] =	vst v4  }
0x36: {  	s15 =	simm.s32 $0x380;
	v4 =	vsel vm0, $0x0, v0;
	vm0 =	veq.s32 v5, $0x0;
	v5 =	vld [tilespmem:s16+$0xFFFFFFD0]  }
0x37: {  	[tilespmem:s14+$0x10] =	vst v4;
	v4 =	vsel vm0, $0x0, v0;
	vm0 =	veq.s32 v1, $0x0;
	v1 =	vld [tilespmem:s15+$0x0]  }
0x38: {  	[tilespmem:s11+$0x30] =	vst v4;
	v4 =	vsel vm0, $0x0, v0;
	v6 =	vld [tilespmem:s13+$0x20]  }
0x39: {  	vm0 =	veq.s32 v2, $0x0;
	[tilespmem:s10+$0x50] =	vst v4;
	v2 =	vld [tilespmem:s12+$0x40]  }
0x3a: {  	v4 =	vsel vm0, $0x0, v0;
	vm0 =	veq.s32 v3, $0x0;
	v3 =	vld [tilespmem:s16+$0x60]  }
0x3b: {  	[tilespmem:s14+$0xFFFFFF90] =	vst v4;
	v4 =	vsel vm0, $0x0, v0;
	vm0 =	veq.s32 v5, $0x0;
	v5 =	vld [tilespmem:s15+$0xFFFFFF80]  }
0x3c: {  	[tilespmem:s11+$0xFFFFFFB0] =	vst v4;
	v4 =	vsel vm0, $0x0, v0;
	vm0 =	veq.s32 v1, $0x0;
	v1 =	vld [tilespmem:s13+$0xFFFFFFA0]  }
0x3d: {  	s17 =	simm.s32 $0x6780;
	[tilespmem:s10+$0xFFFFFFD0] =	vst v4;
	v4 =	vsel vm0, $0x0, v0;
	vm0 =	veq.s32 v6, $0x0;
	v6 =	vld [tilespmem:s12+$0xFFFFFFC0]  }
0x3e: {  	[tilespmem:s17+$0x0] =	vst v4;
	v4 =	vsel vm0, $0x0, v0;
	vm0 =	veq.s32 v2, $0x0;
	v2 =	vld [tilespmem:s16+$0xFFFFFFE0]  }
0x3f: {  	v7 =	vld [tilespmem:s15+$0x10];
	[tilespmem:s14+$0x20] =	vst v4;
	v4 =	vsel vm0, $0x0, v0;
	vm0 =	veq.s32 v3, $0x0  }
0x40: {  	vm1 =	veq.s32 v5, $0x0;
	v3 =	vld [tilespmem:s13+$0x30];
	[tilespmem:s11+$0x40] =	vst v4;
	v4 =	vsel vm0, $0x0, v0  }
0x41: {  	v5 =	vsel vm1, $0x0, v0;
	vm0 =	veq.s32 v1, $0x0;
	v8 =	vld [tilespmem:s12+$0x50];
	[tilespmem:s10+$0x60] =	vst v4  }
0x42: {  	[tilespmem:s17+$0xFFFFFF80] =	vst v5;
	v4 =	vsel vm0, $0x0, v0;
	vm0 =	veq.s32 v6, $0x0;
	v1 =	vld [tilespmem:s16+$0x70]  }
0x43: {  	v5 =	vld [tilespmem:s15+$0xFFFFFF90];
	[tilespmem:s14+$0xFFFFFFA0] =	vst v4;
	v6 =	vsel vm0, $0x0, v0;
	vm0 =	veq.s32 v2, $0x0  }
0x44: {  	vm1 =	veq.s32 v7, $0x0;
	v4 =	vld [tilespmem:s13+$0xFFFFFFB0];
	[tilespmem:s11+$0xFFFFFFC0] =	vst v6;
	v2 =	vsel vm0, $0x0, v0  }
0x45: {  	v6 =	vsel vm1, $0x0, v0;
	vm0 =	veq.s32 v3, $0x0;
	v3 =	vld [tilespmem:s12+$0xFFFFFFD0];
	[tilespmem:s10+$0xFFFFFFE0] =	vst v2  }
0x46: {  	s18 =	simm.s32 $0x6;
	s19 =	simm.s32 $0x480;
	[tilespmem:s17+$0x10] =	vst v6;
	v6 =	vsel vm0, $0x0, v0;
	vm0 =	veq.s32 v8, $0x0;
	v2 =	vld [tilespmem:s16+$0xFFFFFFF0];
	s16 =	simm.s32 $0x6780  }
.LBB2_2:
0x47: {  	v7 =	vld [tilespmem:s19+$0x0];
	[tilespmem:s14+$0x30] =	vst v6;
	v6 =	vsel vm0, $0x0, v0;
	vm0 =	veq.s32 v1, $0x0;
	s20 =	smov.u32 s15;
	s15 =	smov.u32 s19  }
0x48: {  	vm1 =	veq.s32 v5, $0x0;
	v1 =	vld [tilespmem:s20+$0x20];
	[tilespmem:s11+$0x50] =	vst v6;
	v5 =	vsel vm0, $0x0, v0  }
0x49: {  	v6 =	vsel vm1, $0x0, v0;
	vm0 =	veq.s32 v4, $0x0;
	v4 =	vld [tilespmem:s13+$0x40];
	[tilespmem:s10+$0x70] =	vst v5  }
0x4a: {  	s18 =	sadd.s32 $0x2, s18;
	[tilespmem:s17+$0xFFFFFF90] =	vst v6;
	v5 =	vsel vm0, $0x0, v0;
	vm0 =	veq.s32 v3, $0x0;
	v3 =	vld [tilespmem:s12+$0x60]  }
0x4b: {  	p0 =	slt.u32 s18, $0xC6;
	v6 =	vld [tilespmem:s19+$0xFFFFFF80];
	[tilespmem:s14+$0xFFFFFFB0] =	vst v5;
	v5 =	vsel vm0, $0x0, v0;
	vm0 =	veq.s32 v2, $0x0  }
0x4c: {  	vm1 =	veq.s32 v7, $0x0;
	v2 =	vld [tilespmem:s20+$0xFFFFFFA0];
	[tilespmem:s11+$0xFFFFFFD0] =	vst v5;
	v5 =	vsel vm0, $0x0, v0  }
0x4d: {  	s17 =	sadd.s32 $0x100, s17;
	v7 =	vsel vm1, $0x0, v0;
	vm0 =	veq.s32 v1, $0x0;
	v1 =	vld [tilespmem:s13+$0xFFFFFFC0];
	[tilespmem:s10+$0xFFFFFFF0] =	vst v5;
	s10 =	smov.u32 s11;
	s11 =	smov.u32 s14  }
0x4e: {  	s14 =	smov.u32 s16;
	s16 =	smov.u32 s17;
	[tilespmem:s17+$0x0] =	vst v7;
	v5 =	vsel vm0, $0x0, v0;
	vm0 =	veq.s32 v4, $0x0;
	v4 =	vld [tilespmem:s12+$0xFFFFFFE0]  }
0x4f: {  	v7 =	vld [tilespmem:s19+$0x10];
	[tilespmem:s14+$0x20] =	vst v5;
	v5 =	vsel vm0, $0x0, v0;
	vm0 =	veq.s32 v3, $0x0  }
0x50: {  	vm1 =	veq.s32 v6, $0x0;
	v3 =	vld [tilespmem:s20+$0x30];
	[tilespmem:s11+$0x40] =	vst v5;
	v5 =	vsel vm0, $0x0, v0  }
0x51: {  	v6 =	vsel vm1, $0x0, v0;
	vm0 =	veq.s32 v2, $0x0;
	v2 =	vld [tilespmem:s13+$0x50];
	[tilespmem:s10+$0x60] =	vst v5  }
.Ltmp0:
0x52: {  	[tilespmem:s17+$0xFFFFFF80] =	vst v6;
	v6 =	vsel vm0, $0x0, v0;
	vm0 =	veq.s32 v1, $0x0;
	v1 =	vld [tilespmem:s12+$0x70];
	(pc) =	sbr.rel @p0 .LBB2_2-.Ltmp0, $4  }
0x53: {  	v5 =	vld [tilespmem:s19+$0xFFFFFF90];
	[tilespmem:s14+$0xFFFFFFA0] =	vst v6;
	v6 =	vsel vm0, $0x0, v0;
	vm0 =	veq.s32 v4, $0x0  }
0x54: {  	vm1 =	veq.s32 v7, $0x0;
	v4 =	vld [tilespmem:s20+$0xFFFFFFB0];
	[tilespmem:s11+$0xFFFFFFC0] =	vst v6;
	v6 =	vsel vm0, $0x0, v0  }
0x55: {  	v7 =	vsel vm1, $0x0, v0;
	vm0 =	veq.s32 v3, $0x0;
	v3 =	vld [tilespmem:s13+$0xFFFFFFD0];
	[tilespmem:s10+$0xFFFFFFE0] =	vst v6  }
0x56: {  	s19 =	sadd.s32 $0x100, s19;
	[tilespmem:s17+$0x10] =	vst v7;
	v6 =	vsel vm0, $0x0, v0;
	vm0 =	veq.s32 v2, $0x0;
	v2 =	vld [tilespmem:s12+$0xFFFFFFF0];
	s12 =	smov.u32 s13;
	s13 =	smov.u32 s20  }
0x57: {  	_ = 	snop  }
0x58: {  	vm1 =	veq.s32 v5, $0x0  }
0x59: {  	v5 =	vsel vm1, $0x0, v0  }
0x5a: {  	v7 =	vld [tilespmem:s15+$0x20];
	[tilespmem:s17+$0xFFFFFF90] =	vst v5  }
0x5b: {  	v5 =	vld [tilespmem:s15+$0xFFFFFFA0];
	_ =	sdelay $0x3  }
0x5c: {  	vm12 =	veq.s32 v7, $0x0  }
0x5d: {  	v7 =	vsel vm12, $0x0, v0;
	vm13 =	veq.s32 v5, $0x0  }
0x5e: {  	[tilespmem:s16+$0x20] =	vst v7;
	v5 =	vsel vm13, $0x0, v0  }
0x5f: {  	v7 =	vld [tilespmem:s15+$0x30];
	[tilespmem:s16+$0xFFFFFFA0] =	vst v5  }
0x60: {  	v5 =	vld [tilespmem:s15+$0xFFFFFFB0];
	_ =	sdelay $0x2  }
0x61: {  	vm14 =	veq.s32 v4, $0x0  }
0x62: {  	[tilespmem:s14+$0x30] =	vst v6;
	v4 =	vsel vm14, $0x0, v0;
	vm15 =	veq.s32 v7, $0x0  }
0x63: {  	v6 =	vld [tilespmem:s13+$0x40];
	[tilespmem:s14+$0xFFFFFFB0] =	vst v4;
	v42 =	vsel vm15, $0x0, v0;
	vm4 =	veq.s32 v5, $0x0  }
0x64: {  	v43 =	vld [tilespmem:s13+$0xFFFFFFC0];
	[tilespmem:s16+$0x30] =	vst v42;
	v44 =	vsel vm4, $0x0, v0  }
0x65: {  	v45 =	vld [tilespmem:s15+$0x40];
	[tilespmem:s16+$0xFFFFFFB0] =	vst v44  }
0x66: {  	v4 =	vld [tilespmem:s15+$0xFFFFFFC0];
	_ =	sdelay $0x1  }
0x67: {  	vm5 =	veq.s32 v6, $0x0  }
0x68: {  	v6 =	vsel vm5, $0x0, v0;
	vm6 =	veq.s32 v43, $0x0  }
0x69: {  	[tilespmem:s14+$0x40] =	vst v6;
	v5 =	vsel vm6, $0x0, v0;
	vm7 =	veq.s32 v45, $0x0  }
0x6a: {  	v6 =	vld [tilespmem:s13+$0x50];
	[tilespmem:s14+$0xFFFFFFC0] =	vst v5;
	v46 =	vsel vm7, $0x0, v0;
	vm8 =	veq.s32 v4, $0x0  }
0x6b: {  	v47 =	vld [tilespmem:s13+$0xFFFFFFD0];
	[tilespmem:s16+$0x40] =	vst v46;
	v48 =	vsel vm8, $0x0, v0  }
0x6c: {  	v49 =	vld [tilespmem:s15+$0x50];
	[tilespmem:s16+$0xFFFFFFC0] =	vst v48  }
0x6d: {  	v5 =	vld [tilespmem:s15+$0xFFFFFFD0]  }
0x6e: {  	vm9 =	veq.s32 v3, $0x0;
	v3 =	vsel vm0, $0x0, v0  }
0x6f: {  	[tilespmem:s11+$0x50] =	vst v3;
	v3 =	vsel vm9, $0x0, v0;
	vm10 =	veq.s32 v6, $0x0  }
0x70: {  	v50 =	vld [tilespmem:s12+$0x60];
	[tilespmem:s11+$0xFFFFFFD0] =	vst v3;
	v3 =	vsel vm10, $0x0, v0;
	vm11 =	veq.s32 v47, $0x0  }
0x71: {  	v51 =	vld [tilespmem:s12+$0xFFFFFFE0];
	[tilespmem:s14+$0x50] =	vst v3;
	v3 =	vsel vm11, $0x0, v0;
	vm12 =	veq.s32 v49, $0x0  }
0x72: {  	v52 =	vld [tilespmem:s13+$0x60];
	[tilespmem:s14+$0xFFFFFFD0] =	vst v3;
	v3 =	vsel vm12, $0x0, v0;
	vm13 =	veq.s32 v5, $0x0  }
0x73: {  	v53 =	vld [tilespmem:s13+$0xFFFFFFE0];
	[tilespmem:s16+$0x50] =	vst v3;
	v3 =	vsel vm13, $0x0, v0  }
0x74: {  	[tilespmem:s16+$0xFFFFFFD0] =	vst v3;
	v3 =	vld [tilespmem:s15+$0x60]  }
0x75: {  	vm14 =	veq.s32 v50, $0x0;
	v54 =	vld [tilespmem:s15+$0xFFFFFFE0]  }
0x76: {  	v55 =	vsel vm14, $0x0, v0;
	vm15 =	veq.s32 v51, $0x0  }
0x77: {  	[tilespmem:s11+$0x60] =	vst v55;
	v56 =	vsel vm15, $0x0, v0;
	vm4 =	veq.s32 v52, $0x0  }
0x78: {  	v57 =	vld [tilespmem:s12+$0x70];
	[tilespmem:s11+$0xFFFFFFE0] =	vst v56;
	v58 =	vsel vm4, $0x0, v0;
	vm5 =	veq.s32 v53, $0x0  }
0x79: {  	v59 =	vld [tilespmem:s12+$0xFFFFFFF0];
	[tilespmem:s14+$0x60] =	vst v58;
	vm6 =	veq.s32 v3, $0x0;
	v3 =	vsel vm5, $0x0, v0  }
0x7a: {  	[tilespmem:s14+$0xFFFFFFE0] =	vst v3;
	v3 =	vld [tilespmem:s13+$0x70];
	vm7 =	veq.s32 v54, $0x0;
	v60 =	vsel vm6, $0x0, v0  }
0x7b: {  	vm8 =	veq.s32 v1, $0x0;
	[tilespmem:s16+$0x60] =	vst v60;
	v1 =	vld [tilespmem:s13+$0xFFFFFFF0];
	v61 =	vsel vm7, $0x0, v0  }
0x7c: {  	vm9 =	veq.s32 v2, $0x0;
	v2 =	vsel vm8, $0x0, v0;
	[tilespmem:s16+$0xFFFFFFE0] =	vst v61;
	v62 =	vld [tilespmem:s15+$0x70]  }
0x7d: {  	vm10 =	veq.s32 v57, $0x0;
	[tilespmem:s10+$0x70] =	vst v2;
	v2 =	vsel vm9, $0x0, v0;
	v63 =	vld [tilespmem:s15+$0xFFFFFFF0]  }
0x7e: {  	vm11 =	veq.s32 v59, $0x0;
	[tilespmem:s10+$0xFFFFFFF0] =	vst v2;
	v2 =	vsel vm10, $0x0, v0  }
0x7f: {  	[tilespmem:s11+$0x70] =	vst v2;
	v2 =	vsel vm11, $0x0, v0;
	vm12 =	veq.s32 v3, $0x0  }
0x80: {  	[tilespmem:s11+$0xFFFFFFF0] =	vst v2;
	v2 =	vsel vm12, $0x0, v0;
	vm13 =	veq.s32 v1, $0x0  }
0x81: {  	[tilespmem:s14+$0x70] =	vst v2;
	v1 =	vsel vm13, $0x0, v0;
	vm14 =	veq.s32 v62, $0x0  }
0x82: {  	s9 =	sadd.s32 $0x1, s9;
	[tilespmem:s14+$0xFFFFFFF0] =	vst v1;
	v1 =	vsel vm14, $0x0, v0;
	vm15 =	veq.s32 v63, $0x0  }
0x83: {  	p0 =	sne.s32 s9, s5;
	[tilespmem:s16+$0x70] =	vst v1;
	v1 =	vsel vm15, $0x0, v0  }
.Ltmp1:
0x84: {  	[tilespmem:s16+$0xFFFFFFF0] =	vst v1;
	(pc) =	sbr.rel @p0 .LBB2_1-.Ltmp1, $4  }
0x85: {  	[hbm4b:s4+s2] =	stream.linear.scatter [tilespmem:s7], [sflag:$0x2], $0x6400, $0x38;
	[tilespmem:$0xC800] =	vst v63  }
0x86: {  	_ =	swait.ge [sflag:s8], $0x6400  }
0x87: {  	[sflag:s8] =	ssyncset.done $0x0  }
0x88: {  	[sflag:s8] =	ssyncadd.s32 $0xFFFF9C00  }
0x89: {  	_ =	sfence.sel $0x180000  }
0x8a: {  	[bflag:$0x0] =	sbarrier.arrive $0xFFFF  }
0x8b: {  	p0 =	sne.s32 s0, $0x0;
	_ =	strace $0x90000047  }
0x8c: {  	s0 =	sadd.s32 @!p0 $0x100000, s1;
	[bflag:$0x2] =	sbarrier.arrive $0xFFFF  }
0x8d: {  	[sflag:s0] =	ssyncadd.tile.s32 @!p0 $0x1;
	_ =	shalt  }
.Lfunc_end2:
_tile_overlayer_lowered:
.L_overlay_start_2:
0x8e: {  	(tag) =	ssettag $0x2  }
0x8f: {  	s0 =	rddreg [dreg:$0x0];
	s2 =	stileid.u32  }
0x90: {  	s1 =	rddreg [dreg:$0x1];
	p0 =	sne.s32 s2, $0x0  }
0x91: {  	s3 =	rddreg [dreg:$0x2];
	[bflag:$0x3] =	sbarrier.arrive $0xFFFF;
	s2 =	simm.s32 @!p0 $0x1C03  }
0x92: {  	[timem:s3], [sflag:s2] =	dma.local @!p0 [hbm:s0], s1  }
0x93: {  	s0 =	simm.s32 @!p0 $0x3  }
0x94: {  	_ =	swait.ge @!p0 [sflag:s0], s1  }
0x95: {  	s1 =	ssub.s32 @!p0 $0x0, s1;
	[sflag:s0] =	ssyncset.done @!p0 $0x0  }
0x96: {  	[sflag:s0] =	ssyncadd.s32 @!p0 s1  }
0x97: {  	[bflag:$0x3] =	sbarrier.arrive $0xFFFF  }
0x98: {  	_ =	shalt  }

</sc_bundles>
